<compile_context>
chip_gen: v7x
topology: tpu7x:2x2x1
jax: 0.10.2.dev20260603
libtpu: 0.0.44.dev20260713+nightly
codegen_flags: <defaults>
</compile_context>

<pallas_src>
import functools

import jax
import jax.numpy as jnp
from jax import lax
from jax.experimental import pallas as pl
from jax.experimental.pallas import tpu as pltpu
from jax.experimental.pallas import tpu_sc as plsc

NUM_DIVISION = 10
NUM_NODES = 100000
D_FEAT = 128
TAU = 1.0
CHUNK = NUM_NODES // NUM_DIVISION

BLOCK_ROWS = 10000
NUM_BLOCKS = NUM_NODES // BLOCK_ROWS
BLOCKS_PER_CHUNK = max(1, CHUNK // BLOCK_ROWS)

IDX_PER_WORKER = 400
IDX_WORKERS = CHUNK // IDX_PER_WORKER

_MESH = plsc.VectorSubcoreMesh(core_axis_name="c", subcore_axis_name="s")



def _copy_scale_kernel(idx_ref, scale_ref, x_ref, out_ref):
    i = pl.program_id(0)
    in_slab = (i // BLOCKS_PER_CHUNK) == idx_ref[0]
    w = jnp.where(in_slab, scale_ref[0], jnp.float32(1.0))
    out_ref[...] = x_ref[...] * w



def _sc_indices_body(idx_hbm, outidx_hbm, idx_v, oi_buf):
    w = lax.axis_index("s") * 2 + lax.axis_index("c")

    @pl.when(w < IDX_WORKERS)
    def _():
        pltpu.sync_copy(idx_hbm, idx_v)
        idx = idx_v[...][0]
        base = idx * CHUNK + w * IDX_PER_WORKER
        iota = lax.iota(jnp.int32, 16)

        def body(i, carry):
            oi_buf[pl.ds(i * 16, 16)] = base + i * 16 + iota
            return carry

        lax.fori_loop(0, IDX_PER_WORKER // 16, body, 0)
        pltpu.sync_copy(
            oi_buf, outidx_hbm.at[pl.ds(w * IDX_PER_WORKER, IDX_PER_WORKER)]
        )


_sc_indices = functools.partial(
    pl.kernel,
    out_type=jax.ShapeDtypeStruct((CHUNK,), jnp.int32),
    mesh=_MESH,
    scratch_types=[
        pltpu.VMEM((16,), jnp.int32),
        pltpu.VMEM((IDX_PER_WORKER,), jnp.int32),
    ],
)(_sc_indices_body)


@jax.jit
def kernel(node_features, uniform_noise, sample_weights):
    g = -jnp.log(-jnp.log(uniform_noise))
    y_soft = jax.nn.softmax((sample_weights + g) / TAU, axis=-1)
    idx = jnp.argmax(y_soft, axis=-1).astype(jnp.int32)
    y = (1.0 + y_soft[idx]) - y_soft[idx]
    idx_arr = idx[None]
    scale_arr = y[None].astype(jnp.float32)
    idx16 = jnp.full((16,), idx, dtype=jnp.int32)

    updated = pl.pallas_call(
        _copy_scale_kernel,
        grid=(NUM_BLOCKS,),
        in_specs=[
            pl.BlockSpec(memory_space=pltpu.SMEM),
            pl.BlockSpec(memory_space=pltpu.SMEM),
            pl.BlockSpec((BLOCK_ROWS, D_FEAT), lambda i: (i, 0)),
        ],
        out_specs=pl.BlockSpec((BLOCK_ROWS, D_FEAT), lambda i: (i, 0)),
        out_shape=jax.ShapeDtypeStruct((NUM_NODES, D_FEAT), jnp.float32),
        compiler_params=pltpu.CompilerParams(
            dimension_semantics=("arbitrary",),
        ),
    )(idx_arr, scale_arr, node_features)

    outidx = _sc_indices(idx16)
    return updated, outidx

# --- scband reference (transcript-rebuilt; emitter-appended) ---
"""Pipeline reference for scband-sample-nodes-78142634983633 (READ-ONLY COPY).

The authoritative reference and input builder live on the scoring server;
editing this copy changes nothing except your own understanding.
"""

import jax, jax.numpy as jnp
import numpy as np

NUM_DIVISION = 10
NUM_NODES = 100000
D_FEAT = 128
TAU = 1.0


def setup_inputs(seed: int = 0) -> dict:
    key = jax.random.key(seed)
    k1, k2 = jax.random.split(key)
    node_features = jax.random.normal(k1, (NUM_NODES, D_FEAT), dtype=jnp.float32)
    uniform_noise = jax.random.uniform(k2, (NUM_DIVISION,), dtype=jnp.float32, minval=1e-6, maxval=1.0 - 1e-6)
    sample_weights = jnp.ones((NUM_DIVISION,), dtype=jnp.float32)
    return {"node_features": node_features, "uniform_noise": uniform_noise, "sample_weights": sample_weights}


def _gumbel_softmax_hard(logits, uniform_noise, tau):
    # gumbel noise from uniform samples
    g = -jnp.log(-jnp.log(uniform_noise))
    y_soft = jax.nn.softmax((logits + g) / tau, axis=-1)
    idx = jnp.argmax(y_soft, axis=-1)
    y_hard = jax.nn.one_hot(idx, logits.shape[-1], dtype=y_soft.dtype)
    # straight-through estimator (torch F.gumbel_softmax hard=True)
    y = y_hard + y_soft - jax.lax.stop_gradient(y_soft)
    return y, idx


def reference(node_features, uniform_noise, sample_weights):
    # training path of SampleNodes.forward
    mask, sampled_index = _gumbel_softmax_hard(sample_weights, uniform_noise, TAU)
    chunk = NUM_NODES // NUM_DIVISION  # np.array_split with even division
    all_nodes = jnp.arange(NUM_NODES, dtype=jnp.int64 if jax.config.jax_enable_x64 else jnp.int32)
    sampled_original_indices = jax.lax.dynamic_slice_in_dim(all_nodes, sampled_index * chunk, chunk)
    scale = mask[sampled_index]  # == 1.0 forward, carries grad via straight-through
    updated = node_features.at[sampled_original_indices].multiply(scale)
    return updated, sampled_original_indices

if __name__ == "__main__":
    import jax
    _d = setup_inputs()
    print(jax.jit(kernel)(*tuple(_d.values())))

</pallas_src>

<mosaic_0001>
#map = affine_map<(d0, d1) -> (0)>
module attributes {stable_mosaic.version = 14 : i64} {
  func.func @_sc_indices_body(%arg0: i32, %arg1: i32, %arg2: memref<16xi32, #tpu.memory_space<hbm>>, %arg3: memref<10000xi32, #tpu.memory_space<hbm>>, %arg4: memref<16xi32, #tpu.memory_space<vmem>>, %arg5: memref<400xi32, #tpu.memory_space<vmem>>) attributes {dimension_semantics = [#tpu.dimension_semantics<core_parallel>, #tpu.dimension_semantics<subcore_parallel>], iteration_bounds = array<i64: 2, 16>, scalar_prefetch = 0 : i64, scratch_operands = 2 : i64, tpu.core_type = #tpu.core_type<sc_vector_subcore>, window_params = [{transform_indices = #map}, {transform_indices = #map}]} {
    %mul3A = arith.constant 2 : i32
    %mul3A_0 = arith.muli %arg1, %mul3A : i32
    %add3A = arith.addi %mul3A_0, %arg0 : i32
    %lt3A = arith.constant 25 : i32
    %lt3A_1 = arith.cmpi slt, %add3A, %lt3A : i32
    %convert_element_type3A = arith.extui %lt3A_1 : i1 to i32
    %cond3A = arith.constant 0 : i32
    %cond3A_2 = arith.cmpi ne, %convert_element_type3A, %cond3A : i32
    scf.if %cond3A_2 {
      "tpu.region"() ({
        %run_scoped3A = tpu.sem_alloc : memref<!tpu.dma_semaphore, #tpu.memory_space<semaphore_mem>>
        tpu.enqueue_dma source(%arg2 : memref<16xi32, #tpu.memory_space<hbm>>) target(%arg4 : memref<16xi32, #tpu.memory_space<vmem>>) target_semaphore(%run_scoped3A : memref<!tpu.dma_semaphore, #tpu.memory_space<semaphore_mem>>)
        tpu.wait_dma2 semaphore(%run_scoped3A : memref<!tpu.dma_semaphore, #tpu.memory_space<semaphore_mem>>) src(%arg2 : memref<16xi32, #tpu.memory_space<hbm>>) dst(%arg4 : memref<16xi32, #tpu.memory_space<vmem>>)
        tpu.yield
      }) : () -> ()
      %get3A = arith.constant 0 : index
      %get3A_3 = tpu.vector_load %arg4[%get3A] {strides = array<i32>} : memref<16xi32, #tpu.memory_space<vmem>>, vector<16xi32>,
      %get3A_4 = vector.shape_cast %get3A_3 : vector<16xi32> to vector<16xi32>
      %slice3A = vector.extract_strided_slice %get3A_4 {offsets = [0], sizes = [1], strides = [1]} : vector<16xi32> to vector<1xi32>
      %squeeze3A = vector.extract %slice3A[0] : i32 from vector<1xi32>
      %mul3A_5 = arith.constant 10000 : i32
      %mul3A_6 = arith.muli %squeeze3A, %mul3A_5 : i32
      %mul3A_7 = arith.constant 400 : i32
      %mul3A_8 = arith.muli %add3A, %mul3A_7 : i32
      %add3A_9 = arith.addi %mul3A_6, %mul3A_8 : i32
      %iota3A = tpu.iota {dimensions = array<i32: 0>} : vector<16xi32>
      %scan3A = arith.constant 0 : i32
      %scan3A_10 = arith.constant 0 : i32
      %scan3A_11 = arith.constant 25 : i32
      %scan3A_12 = arith.addi %scan3A_10, %scan3A_11 : i32
      %scan3A_13 = arith.constant 1 : i32
      scf.for %scan3A_17 = %scan3A_10 to %scan3A_12 step %scan3A_13  : i32 {
        %mul3A_18 = arith.constant 16 : i32
        %mul3A_19 = arith.muli %scan3A_17, %mul3A_18 : i32
        %add3A_20 = arith.addi %add3A_9, %mul3A_19 : i32
        %add3A_21 = vector.broadcast %add3A_20 : i32 to vector<16xi32>
        %add3A_22 = arith.addi %add3A_21, %iota3A : vector<16xi32>
        %mul3A_23 = arith.constant 16 : i32
        %mul3A_24 = arith.muli %scan3A_17, %mul3A_23 : i32
        %swap3A = arith.index_cast %mul3A_24 : i32 to index
        %swap3A_25 = tpu.vector_load %arg5[%swap3A] {strides = array<i32>} : memref<400xi32, #tpu.memory_space<vmem>>, vector<16xi32>,
        %swap3A_26 = vector.shape_cast %swap3A_25 : vector<16xi32> to vector<16xi32>
        %swap3A_27 = vector.shape_cast %add3A_22 : vector<16xi32> to vector<16xi32>
        tpu.vector_store %arg5[%swap3A], %swap3A_27 {strides = array<i32>} : memref<400xi32, #tpu.memory_space<vmem>>, vector<16xi32>,
      }
      %scan3A_14 = arith.constant 25 : i32
      %mul3A_15 = arith.constant 400 : i32
      %mul3A_16 = arith.muli %add3A, %mul3A_15 : i32
      "tpu.region"() ({
        %run_scoped3A = tpu.sem_alloc : memref<!tpu.dma_semaphore, #tpu.memory_space<semaphore_mem>>
        %dma_start3A = tpu.memref_slice %arg3[%mul3A_16] : memref<10000xi32, #tpu.memory_space<hbm>> -> memref<400xi32, #tpu.memory_space<hbm>>
        %dma_start3A_17 = tpu.memref_slice %arg3[%mul3A_16] : memref<10000xi32, #tpu.memory_space<hbm>> -> memref<400xi32, #tpu.memory_space<hbm>>
        tpu.enqueue_dma source(%arg5 : memref<400xi32, #tpu.memory_space<vmem>>) target(%dma_start3A_17 : memref<400xi32, #tpu.memory_space<hbm>>) target_semaphore(%run_scoped3A : memref<!tpu.dma_semaphore, #tpu.memory_space<semaphore_mem>>)
        %dma_wait3A = tpu.memref_slice %arg3[%mul3A_16] : memref<10000xi32, #tpu.memory_space<hbm>> -> memref<400xi32, #tpu.memory_space<hbm>>
        %dma_wait3A_18 = tpu.memref_slice %arg3[%mul3A_16] : memref<10000xi32, #tpu.memory_space<hbm>> -> memref<400xi32, #tpu.memory_space<hbm>>
        tpu.wait_dma2 semaphore(%run_scoped3A : memref<!tpu.dma_semaphore, #tpu.memory_space<semaphore_mem>>) src(%arg5 : memref<400xi32, #tpu.memory_space<vmem>>) dst(%dma_wait3A_18 : memref<400xi32, #tpu.memory_space<hbm>>)
        tpu.yield
      }) : () -> ()
    } else {
    }
    return
  }
}

module attributes {stable_mosaic.version = 14 : i64} {
  func.func @_copy_scale_kernel(%arg0: i32, %arg1: memref<1xi32, #tpu.memory_space<smem>>, %arg2: memref<1xf32, #tpu.memory_space<smem>>, %arg3: memref<10000x128xf32, #tpu.memory_space<vmem>>, %arg4: memref<10000x128xf32, #tpu.memory_space<vmem>>) attributes {dimension_semantics = [#tpu.dimension_semantics<arbitrary>], iteration_bounds = array<i64: 10>, scalar_prefetch = 0 : i64, scratch_operands = 0 : i64, tpu.core_type = #tpu.core_type<tc>, window_params = [{transform_indices = @transform_0, window_bounds = array<i64: 1>}, {transform_indices = @transform_1, window_bounds = array<i64: 1>}, {transform_indices = @transform_2, window_bounds = array<i64: 10000, 128>}, {transform_indices = @transform_3, window_bounds = array<i64: 10000, 128>}]} {
    %jit3A = arith.constant 1 : i32
    %div3A = arith.divsi %arg0, %jit3A : i32
    %sign3A = arith.constant 0 : i32
    %sign3A_0 = arith.cmpi sgt, %arg0, %sign3A : i32
    %sign3A_1 = arith.extui %sign3A_0 : i1 to i32
    %sign3A_2 = arith.constant 0 : i32
    %sign3A_3 = arith.cmpi slt, %arg0, %sign3A_2 : i32
    %sign3A_4 = arith.extui %sign3A_3 : i1 to i32
    %sign3A_5 = arith.subi %sign3A_1, %sign3A_4 : i32
    %sign3A_6 = arith.constant 0 : i32
    %sign3A_7 = arith.cmpi sgt, %jit3A, %sign3A_6 : i32
    %sign3A_8 = arith.extui %sign3A_7 : i1 to i32
    %sign3A_9 = arith.constant 0 : i32
    %sign3A_10 = arith.cmpi slt, %jit3A, %sign3A_9 : i32
    %sign3A_11 = arith.extui %sign3A_10 : i1 to i32
    %sign3A_12 = arith.subi %sign3A_8, %sign3A_11 : i32
    %ne3A = arith.cmpi ne, %sign3A_5, %sign3A_12 : i32
    %rem3A = arith.remsi %arg0, %jit3A : i32
    %ne3A_13 = arith.constant 0 : i32
    %ne3A_14 = arith.cmpi ne, %rem3A, %ne3A_13 : i32
    %and3A = arith.andi %ne3A, %ne3A_14 : i1
    %sub3A = arith.constant 1 : i32
    %sub3A_15 = arith.subi %div3A, %sub3A : i32
    %select_n3A = arith.select %and3A, %sub3A_15, %div3A : i32
    %get3A = arith.constant 0 : index
    %get3A_16 = memref.load %arg1[%get3A] : memref<1xi32, #tpu.memory_space<smem>>
    %eq3A = arith.cmpi eq, %select_n3A, %get3A_16 : i32
    %get3A_17 = arith.constant 0 : index
    %get3A_18 = memref.load %arg2[%get3A_17] : memref<1xf32, #tpu.memory_space<smem>>
    %jit3A_19 = arith.constant 1.000000e+00 : f32
    %select_n3A_20 = arith.select %eq3A, %get3A_18, %jit3A_19 : f32
    %get3A_21 = arith.constant 0 : index
    %get3A_22 = arith.constant 0 : index
    %get3A_23 = vector.load %arg3[%get3A_21, %get3A_22] : memref<10000x128xf32, #tpu.memory_space<vmem>>, vector<10000x128xf32>
    %mul3A = vector.broadcast %select_n3A_20 : f32 to vector<10000x128xf32>
    %mul3A_24 = arith.mulf %get3A_23, %mul3A : vector<10000x128xf32>
    %swap3A = arith.constant 0 : index
    %swap3A_25 = arith.constant 0 : index
    %swap3A_26 = vector.load %arg4[%swap3A, %swap3A_25] : memref<10000x128xf32, #tpu.memory_space<vmem>>, vector<10000x128xf32>
    tpu.vector_store %arg4[%swap3A, %swap3A_25], %mul3A_24 {strides = array<i32>} : memref<10000x128xf32, #tpu.memory_space<vmem>>, vector<10000x128xf32>,
    return
  }
  func.func @transform_0(%arg0: i32) -> i32 {
    %c0_i32 = arith.constant 0 : i32
    %c0_i32_0 = arith.constant 0 : i32
    return %c0_i32 : i32
  }
  func.func @transform_1(%arg0: i32) -> i32 {
    %c0_i32 = arith.constant 0 : i32
    %c0_i32_0 = arith.constant 0 : i32
    return %c0_i32 : i32
  }
  func.func @transform_2(%arg0: i32) -> (i32, i32) {
    %c0_i32 = arith.constant 0 : i32
    %c0_i32_0 = arith.constant 0 : i32
    return %arg0, %c0_i32 : i32, i32
  }
  func.func @transform_3(%arg0: i32) -> (i32, i32) {
    %c0_i32 = arith.constant 0 : i32
    %c0_i32_0 = arith.constant 0 : i32
    return %arg0, %c0_i32 : i32, i32
  }
}

</mosaic_0001>

<sc_bundles>
// kernel: kernel.4.cloned.1.call-start
scs
__scs_entry_jumppad:
0x0: {  	(pc) =	sbr.rel $0x88, $3  }
0x1: {  	(tag) =	ssettag $0x0;
	lr =	simm.s32 $0x1  }
0x2: {  	[smem:$0x3F9E] =	sst lr;
	_ =	strace $0xD0000000  }
0x3: {  	_ = 	snop  }
0x4: {  	_ = 	snop  }
0x5: {  	_ = 	snop  }
0x6: {  	_ = 	snop  }
0x7: {  	_ = 	snop  }
__scs_overlays_trampoline_lowered:
0x8: {  	[smem:$0x3FAD] =	sst s0  }
0x9: {  	[smem:$0x3FAE] =	sst s1  }
0xa: {  	[smem:$0x3FAF] =	sst s2  }
0xb: {  	[smem:$0x3FB0] =	sst s3  }
0xc: {  	[smem:$0x3FB1] =	sst s4  }
0xd: {  	[smem:$0x3FB2] =	sst s5  }
0xe: {  	[smem:$0x3FB3] =	sst s6  }
0xf: {  	[smem:$0x3FB4] =	sst s7  }
0x10: {  	[smem:$0x3FB5] =	sst s8  }
0x11: {  	[smem:$0x3FB6] =	sst s9;
	s0 =	simm.s32 @!p0 $0x0  }
0x12: {  	s1 =	sld [smem:$0x3F9C];
	s0 =	simm.s32 @p0 $0x1  }
0x13: {  	[smem:$0x3FB7] =	sst s0;
	s0 =	simm.s32 @!p1 $0x0  }
0x14: {  	s2 =	sld [smem:$0x3F9B];
	s0 =	simm.s32 @p1 $0x1  }
0x15: {  	[smem:$0x3FB8] =	sst s0;
	s0 =	simm.s32 @!p2 $0x0  }
0x16: {  	s3 =	sld [smem:$0x3FDB];
	s0 =	simm.s32 @p2 $0x1  }
0x17: {  	s4 =	simm.s32 $0x1BF5;
	[smem:$0x3FBA] =	sst s0  }
0x18: {  	s0 =	sld [smem:$0x3F9D];
	_ =	swait.ge [sflag:s4], $0x0  }
0x19: {  	s7 =	sld [smem:$0x3F9E]  }
0x1a: {  	s8 =	sadd.s32 $0xFFFFE003, lr  }
0x1b: {  	s9 =	sadd.s32 $0xFFFFFEF7, lr;
	s5 =	simm.s32 $0xFFFFFFFF;
	p2 =	slt.u32 s8, $0xFFFFF086  }
0x1c: {  	p1 =	slt.u32 s9, $0xF7A;
	s5 =	simm.s32 @!p2 $0x0  }
0x1d: {  	s5 =	simm.s32 @p1 $0x1;
	p0 =	seq.s32 s7, s2  }
0x1e: {  	s7 =	smul.u32 @!p0 $0xF7A, s2;
	p2 =	seq.s32 @!p0 s5, $0x0  }
0x1f: {  	s9 =	smul.u32 $0xF7A, s1;
	s8 =	simm.s32 @!p0 $0x1BF5;
	p2 =	por !p2, p0  }
0x20: {  	[sflag:s8] =	ssyncset.s32 @!p0 $0xFFFFF086;
	s6 =	sadd.s32 @!p0 s3, s7;
	s7 =	simm.s32 @!p0 $0x108  }
0x21: {  	s3 =	sadd.s32 s3, s9;
	s6 =	sadd.s32 @!p0 $0x88, s6;
	s7 =	simm.s32 @p2 $0x1082  }
0x22: {  	[simem:s7], [sflag:s8] =	dma.local @!p0 [hbm:s6], $0xF7A  }
0x23: {  	s9 =	sor.u32 $0xD0000000, s2;
	s6 =	simm.s32 $0x108;
	_ =	swait.ge @!p0 [sflag:s8], $0x0  }
0x24: {  	s3 =	sadd.s32 $0x88, s3;
	s6 =	simm.s32 @!p1 $0x1082;
	[sflag:s4] =	ssyncset.s32 $0xFFFFF086  }
0x25: {  	[simem:s6], [sflag:s4] =	dma.local [hbm:s3], $0xF7A  }
0x26: {  	[smem:$0x3F9E] =	sst s1;
	(tag) =	ssettag s2;
	_ =	strace s9  }
0x27: {  	s1 =	sld [smem:$0x3FAE]  }
0x28: {  	s2 =	sld [smem:$0x3FAF]  }
0x29: {  	s4 =	sld [smem:$0x3FB1]  }
0x2a: {  	p0 =	seq.s32 s5, $0x0;
	s5 =	sld [smem:$0x3FB2]  }
0x2b: {  	s6 =	sld [smem:$0x3FB3]  }
0x2c: {  	s7 =	sld [smem:$0x3FB4]  }
0x2d: {  	s3 =	simm.s32 $0x108;
	s8 =	sld [smem:$0x3FB5]  }
0x2e: {  	s3 =	simm.s32 @!p0 $0x1082;
	s9 =	sld [smem:$0x3FB6]  }
0x2f: {  	lr =	sadd.s32 s0, s3;
	s0 =	sld [smem:$0x3FAD]  }
0x30: {  	s3 =	sld [smem:$0x3FB0]  }
0x31: {  	[smem:$0x3FB9] =	sst s10  }
0x32: {  	s10 =	sld [smem:$0x3FB7];
	_ =	sdelay $0x3  }
0x33: {  	p0 =	seq.s32 s10, $0x1;
	s10 =	sld [smem:$0x3FB9];
	_ =	sdelay $0x3  }
0x34: {  	[smem:$0x3FB9] =	sst s10  }
0x35: {  	s10 =	sld [smem:$0x3FB8];
	_ =	sdelay $0x3  }
0x36: {  	p1 =	seq.s32 s10, $0x1;
	s10 =	sld [smem:$0x3FB9];
	_ =	sdelay $0x3  }
0x37: {  	[smem:$0x3FB9] =	sst s10  }
0x38: {  	s10 =	sld [smem:$0x3FBA]  }
0x39: {  	_ = 	snop;
	(pc) =	sbr.ind lr, $3  }
0x3a: {  	_ = 	snop  }
0x3b: {  	_ = 	snop  }
0x3c: {  	p2 =	seq.s32 s10, $0x1;
	s10 =	sld [smem:$0x3FB9]  }
0x3d: {  	_ =	shalt  }
0x3e: {  	_ =	shalt  }
0x3f: {  	_ =	shalt  }
0x40: {  	_ =	shalt  }
0x41: {  	_ =	shalt  }
0x42: {  	_ =	shalt  }
0x43: {  	_ =	shalt  }
0x44: {  	_ =	shalt  }
0x45: {  	_ =	shalt  }
0x46: {  	_ =	shalt  }
0x47: {  	_ =	shalt  }
0x48: {  	_ =	shalt  }
0x49: {  	_ =	shalt  }
0x4a: {  	_ =	shalt  }
0x4b: {  	_ =	shalt  }
0x4c: {  	_ =	shalt  }
0x4d: {  	_ =	shalt  }
0x4e: {  	_ =	shalt  }
0x4f: {  	_ =	shalt  }
0x50: {  	_ =	shalt  }
0x51: {  	_ =	shalt  }
0x52: {  	_ =	shalt  }
0x53: {  	_ =	shalt  }
0x54: {  	_ =	shalt  }
0x55: {  	_ =	shalt  }
0x56: {  	_ =	shalt  }
0x57: {  	_ =	shalt  }
0x58: {  	_ =	shalt  }
0x59: {  	_ =	shalt  }
0x5a: {  	_ =	shalt  }
0x5b: {  	_ =	shalt  }
0x5c: {  	_ =	shalt  }
0x5d: {  	_ =	shalt  }
0x5e: {  	_ =	shalt  }
0x5f: {  	_ =	shalt  }
0x60: {  	_ =	shalt  }
0x61: {  	_ =	shalt  }
0x62: {  	_ =	shalt  }
0x63: {  	_ =	shalt  }
0x64: {  	_ =	shalt  }
0x65: {  	_ =	shalt  }
0x66: {  	_ =	shalt  }
0x67: {  	_ =	shalt  }
0x68: {  	_ =	shalt  }
0x69: {  	_ =	shalt  }
0x6a: {  	_ =	shalt  }
0x6b: {  	_ =	shalt  }
0x6c: {  	_ =	shalt  }
0x6d: {  	_ =	shalt  }
0x6e: {  	_ =	shalt  }
0x6f: {  	_ =	shalt  }
0x70: {  	_ =	shalt  }
0x71: {  	_ =	shalt  }
0x72: {  	_ =	shalt  }
0x73: {  	_ =	shalt  }
0x74: {  	_ =	shalt  }
0x75: {  	_ =	shalt  }
0x76: {  	_ =	shalt  }
0x77: {  	_ =	shalt  }
0x78: {  	_ =	shalt  }
0x79: {  	_ =	shalt  }
0x7a: {  	_ =	shalt  }
0x7b: {  	_ =	shalt  }
0x7c: {  	_ =	shalt  }
0x7d: {  	_ =	shalt  }
0x7e: {  	_ =	shalt  }
0x7f: {  	_ =	shalt  }
0x80: {  	_ =	shalt  }
0x81: {  	_ =	shalt  }
0x82: {  	_ =	shalt  }
0x83: {  	_ =	shalt  }
0x84: {  	_ =	shalt  }
0x85: {  	_ =	shalt  }
0x86: {  	_ =	shalt  }
0x87: {  	_ =	shalt  }
.Lfunc_end0:
.L_simem_size_0:
called_computation_lowered:
.L_overlay_start_0:
0x88: {  	s2 =	sld [smem:$0x3FD9]  }
0x89: {  	s3 =	sld [smem:$0x3FFE];
	_ =	sdelay $0x1  }
0x8a: {  	s1 =	srdreg.scid  }
0x8b: {  	s0 =	sand.u32 $0x1, s1  }
0x8c: {  	s14 =	sshll.u32 s0, $0xA;
	s2 =	sadd.s32 s3, s2  }
0x8d: {  	s2 =	sadd.s32 s2, s14  }
0x8e: {  	[smem:$0x3FC5] =	sst s2  }
0x8f: {  	_ = 	snop  }
0x90: {  	s2 =	sld [smem:$0x3FD0];
	_ =	sdelay $0x2  }
0x91: {  	s15 =	simm.s32 $0xA;
	s4 =	simm.s32 $0x10  }
0x92: {  	[smem:s4], [sflag:s15] =	dma.local [hbm:s2], $0x1  }
0x93: {  	_ =	swait.eq [sflag:s15], $0x1  }
0x94: {  	[sflag:s15] =	ssyncset.done $0x0  }
0x95: {  	[sflag:s15] =	ssyncadd.s32 $0xFFFFFFFF  }
0x96: {  	s16 =	sld [smem:$0x11];
	(tm) =	ssettm $0x1  }
0x97: {  	s17 =	sld [smem:$0x3FFB];
	_ =	sdelay $0x3  }
0x98: {  	_ =	strace s17  }
0x99: {  	s3 =	sld [smem:$0x3FFC];
	_ =	sdelay $0x3  }
0x9a: {  	_ =	strace s3  }
0x9b: {  	s3 =	sld [smem:$0x3FFD];
	_ =	sdelay $0x3  }
0x9c: {  	_ =	strace s3  }
0x9d: {  	_ =	strace $0x8FFFFFFF  }
0x9e: {  	s18 =	sld [smem:$0x3FDB];
	_ =	sdelay $0x1  }
0x9f: {  	s19 =	simm.s32 $_scs_section_size  }
0xa0: {  	s5 =	simm.s32 $_size__tile_overlayer_lowered;
	s6 =	simm.s32 $_tile_overlayer_lowered  }
0xa1: {  	s22 =	simm.s32 $0x1BFF;
	s21 =	sshll.u32 s6, $0x1;
	s3 =	sadd.s32 s19, s18  }
0xa2: {  	s7 =	simm.s32 $0x0;
	s20 =	sshll.u32 s5, $0x1;
	s5 =	sadd.s32 s21, s3  }
0xa3: {  	[timem:s7], [sflag:s22] =	dma.local [hbm:s5], s20  }
0xa4: {  	_ =	swait.ge [sflag:s22], s20  }
0xa5: {  	s4 =	ssub.s32 $0x0, s20;
	[sflag:s22] =	ssyncset.done $0x0  }
0xa6: {  	[sflag:s22] =	ssyncadd.s32 s4;
	_ =	sdelay $0x1  }
0xa7: {  	s23 =	simm.s32 $0x1B8B  }
0xa8: {  	_ =	swait.ge [sflag:s23], $0x1  }
0xa9: {  	[sflag:s23] =	ssyncset.done $0x0  }
0xaa: {  	s25 =	simm.s32 $0x1B8E;
	s24 =	sld [smem:$0x3FFE];
	[sflag:s23] =	ssyncadd.s32 $0xFFFFFFFF  }
0xab: {  	s26 =	simm.s32 $execute0_lowered;
	[smem:$0x3FD2] =	sst s25  }
0xac: {  	s5 =	sshll.u32 s26, $0x1;
	_ =	strace $0x80000046;
	[dreg:$0x1] =	wrdreg $0xFFFFFFFF  }
0xad: {  	s28 =	simm.s32 $_size_execute0_lowered;
	s3 =	sadd.s32 s3, s5;
	[dreg:$0x0] =	wrdreg $0x0  }
0xae: {  	s5 =	sshll.u32 s28, $0x1;
	[dreg:$0x2] =	wrdreg s3  }
0xaf: {  	[dreg:$0x3] =	wrdreg s5  }
0xb0: {  	[dreg:$0x4] =	wrdreg $0xC0  }
0xb1: {  	_ =	task [dreg:s7], $0x5FFFF  }
0xb2: {  	[dreg:$0x1] =	wrdreg $0xFFFFFFFF  }
0xb3: {  	[dreg:$0x0] =	wrdreg $0x60  }
0xb4: {  	[dreg:$0x2] =	wrdreg s24  }
0xb5: {  	[dreg:$0x3] =	wrdreg s16  }
0xb6: {  	[dreg:$0x4] =	wrdreg $0x9  }
0xb7: {  	_ =	task.clear_ibuf [dreg:s7], $0x5FFFF;
	_ =	strace $0x90000046  }
0xb8: {  	s29 =	simm.s32 $0x9;
	_ =	strace $0x80000048  }
0xb9: {  	_ =	swait.ge [sflag:s29], $0x1  }
0xba: {  	[sflag:s29] =	ssyncadd.s32 $0xFFFFFFFF  }
0xbb: {  	_ =	strace $0x90000048  }
0xbc: {  	_ =	sfence  }
0xbd: {  	s30 =	sld [smem:$0x0];
	_ =	sdelay $0x2  }
0xbe: {  	s31 =	sshll.u32 s1, $0xD;
	s1 =	sshrl.u32 s1, $0x2  }
0xbf: {  	s3 =	sand.u32 $0x4000, s31;
	s1 =	sadd.s32 s1, s30  }
0xc0: {  	s0 =	sor.u32 s3, s0;
	s1 =	sshll.u32 s1, $0x11  }
0xc1: {  	s0 =	sor.u32 s1, s0  }
0xc2: {  	s0 =	sadd.s32 $0x8F2B, s0  }
0xc3: {  	[sflag:s0] =	ssyncadd.remote.s32 $0x1  }
0xc4: {  	_ =	sfence.sel $0xFFFF  }
0xc5: {  	[dreg:$0x0] =	wrdreg $0xFFFFFFFF;
	(pc) =	sbr.abs _section_cstart, $3  }
0xc6: {  	[dreg:$0x1] =	wrdreg $0xFFFFFFFF  }
0xc7: {  	_ =	task.clear_ibuf [dreg:s7], $0x2FFFF;
	_ =	strace $0x9FFFFFFF  }
0xc8: {  	(tm) =	ssettm $0x7FFFFFFF  }
0xc9: {  	_ =	shalt  }
tec
execute0_lowered:
.L_overlay_start_1:
0x0: {  	(tag) =	ssettag $0x1  }
0x1: {  	s1 =	srdreg.scid;
	s0 =	stileid.u32  }
0x2: {  	s5 =	sand.u32 $0x1, s1;
	s6 =	sshll.u32 s0, $0x1  }
0x3: {  	s6 =	sor.u32 s5, s6  }
0x4: {  	p0 =	sgt.u32 s6, $0x18  }
.Ltmp0:
0x5: {  	_ = 	snop;
	(pc) =	sbr.rel @p0 .LBB2_5-.Ltmp0, $4  }
0x6: {  	s3 =	rddreg [dreg:$0x0]  }
0x7: {  	s4 =	rddreg [dreg:$0x1];
	s2 =	simm.s32 $0x0  }
0x8: {  	[smem:$0x7FF] =	sst s2  }
0x9: {  	s1 =	rddreg [dreg:$0x2];
	_ =	strace $0x80000047  }
0xa: {  	s6 =	smul.u32 $0x190, s6  }
0xb: {  	s7 =	ssub.s32 $0x2, s5;
	s8 =	smul.u32 $0x320, s0  }
0xc: {  	s10 =	smul.u32 $0x190, s5;
	s9 =	sshrl.u32 s7, $0x1  }
0xd: {  	s3 =	sadd.s32 $0x400, s3;
	s30 =	sshrl.u32 s6, $0x3;
	s31 =	ssub.s32 s7, s9  }
0xe: {  	s6 =	sadd.s32 s10, s8;
	s7 =	simm.s32 $0x1;
	s8 =	simm.s32 $0x80  }
0xf: {  	v0 =	vlaneseq.u32;
	s9 =	simm.s32 $0x0;
	s4 =	sadd.s32 s4, s30;
	s5 =	smax.u32 s31, $0x1  }
.LBB2_2:
0x10: {  	s10 =	simm.s32 $0x0  }
0x11: {  	[tilespmem:s10], [sflag:$0x1] =	stream.linear.gather [hbm4b:s3+s10], $0x80, $0x38;
	[tilespmem:$0x280] =	vst v63  }
0x12: {  	_ =	swait.ge [sflag:s7], $0x80  }
0x13: {  	[sflag:s7] =	ssyncset.done $0x0  }
0x14: {  	[sflag:s7] =	ssyncadd.s32 $0xFFFFFF80  }
0x15: {  	v1 =	vld [tilespmem:$0x0];
	_ =	sdelay $0x4  }
0x16: {  	(v2sf) =	vpush v1, $0x0;
	_ =	sdelay $0xe  }
0x17: {  	s31 =	spop (v2sf)  }
0x18: {  	s10 =	smul.u32 $0x2710, s31;
	_ =	sdelay $0x1  }
0x19: {  	s10 =	sadd.s32 s10, s6  }
0x1a: {  	s11 =	simm.s32 $0x40;
	s12 =	simm.s32 $0x0;
	v1 =	vor.u32 s10, v0  }
.LBB2_3:
0x1b: {  	p0 =	sne.s32 s11, $0x600  }
0x1c: {  	[tilespmem:s12+$0x80] =	vst v1;
	s10 =	sadd.s32 $0x10, s10;
	s12 =	smov.u32 s11;
	s11 =	sadd.s32 $0x40, s11  }
.Ltmp1:
0x1d: {  	(pc) =	sbr.rel @p0 .LBB2_3-.Ltmp1, $2  }
0x1e: {  	_ =	sdelay $0x2  }
0x1f: {  	v1 =	vor.u32 s10, v0;
	s12 =	sshra.s32 s12, $0x2  }
0x20: {  	s9 =	sadd.s32 $0x1, s9  }
0x21: {  	p0 =	sne.s32 s9, s5  }
.Ltmp2:
0x22: {  	[tilespmem:s12+$0x80] =	vst v1;
	(pc) =	sbr.rel @p0 .LBB2_2-.Ltmp2, $4  }
0x23: {  	[hbm4b:s4+s2] =	stream.linear.scatter [tilespmem:s8], [sflag:$0x1], $0x190, $0x38;
	[tilespmem:$0x280] =	vst v63  }
0x24: {  	_ =	swait.ge [sflag:s7], $0x190  }
0x25: {  	[sflag:s7] =	ssyncset.done $0x0  }
0x26: {  	[sflag:s7] =	ssyncadd.s32 $0xFFFFFE70  }
.LBB2_5:
0x27: {  	_ =	sfence.sel $0x180000  }
0x28: {  	[bflag:$0x0] =	sbarrier.arrive $0xFFFF  }
0x29: {  	p0 =	sne.s32 s0, $0x0;
	_ =	strace $0x90000047  }
0x2a: {  	s0 =	sadd.s32 @!p0 $0x100000, s1;
	[bflag:$0x2] =	sbarrier.arrive $0xFFFF  }
0x2b: {  	[sflag:s0] =	ssyncadd.tile.s32 @!p0 $0x1;
	_ =	shalt  }
.Lfunc_end2:
_tile_overlayer_lowered:
.L_overlay_start_2:
0x2c: {  	(tag) =	ssettag $0x2  }
0x2d: {  	s0 =	rddreg [dreg:$0x0];
	s2 =	stileid.u32  }
0x2e: {  	s1 =	rddreg [dreg:$0x1];
	p0 =	sne.s32 s2, $0x0  }
0x2f: {  	s3 =	rddreg [dreg:$0x2];
	[bflag:$0x3] =	sbarrier.arrive $0xFFFF;
	s2 =	simm.s32 @!p0 $0x1C01  }
0x30: {  	[timem:s3], [sflag:s2] =	dma.local @!p0 [hbm:s0], s1  }
0x31: {  	s0 =	simm.s32 @!p0 $0x1  }
0x32: {  	_ =	swait.ge @!p0 [sflag:s0], s1  }
0x33: {  	s1 =	ssub.s32 @!p0 $0x0, s1;
	[sflag:s0] =	ssyncset.done @!p0 $0x0  }
0x34: {  	[sflag:s0] =	ssyncadd.s32 @!p0 s1  }
0x35: {  	[bflag:$0x3] =	sbarrier.arrive $0xFFFF  }
0x36: {  	_ =	shalt  }

</sc_bundles>
